<compile_context>
chip_gen: v7x
topology: tpu7x:2x2x1
jax: 0.10.2.dev20260603
libtpu: 0.0.44.dev20260713+nightly
codegen_flags: <defaults>
</compile_context>

<pallas_src>
import functools

import jax
import jax.numpy as jnp
from jax import lax
from jax.experimental import pallas as pl
from jax.experimental.pallas import tpu as pltpu
from jax.experimental.pallas import tpu_sc as plsc

_NUM_TILES = 32
_BLK_SAMP = 16


def _proj_body(xt_ref, wt_ref, o_ref):
    o_ref[...] = lax.dot_general(
        xt_ref[...], wt_ref[...], (((0,), (0,)), ((), ())),
        preferred_element_type=jnp.float32)


def _project_table(table_t, wt):
    d, v = table_t.shape
    blk = 8192
    return pl.pallas_call(
        _proj_body,
        grid=(pl.cdiv(v, blk),),
        in_specs=[
            pl.BlockSpec((d, blk), lambda i: (0, i)),
            pl.BlockSpec((d, 8), lambda i: (0, 0)),
        ],
        out_specs=pl.BlockSpec((blk, 8), lambda i: (i, 0)),
        out_shape=jax.ShapeDtypeStruct((v, 8), jnp.float32),
    )(table_t, wt)


def _make_sc_pool(batch, seq):
    n_blocks = batch // _BLK_SAMP
    bpt = n_blocks // _NUM_TILES
    out_words = bpt * _BLK_SAMP * 2
    ntok = seq * _BLK_SAMP
    mesh = plsc.VectorSubcoreMesh(core_axis_name="c", subcore_axis_name="s",
                                  num_cores=2, num_subcores=16)

    @functools.partial(
        pl.kernel,
        out_type=jax.ShapeDtypeStruct((batch * 2,), jnp.float32),
        mesh=mesh,
        scratch_types=[
            pltpu.VMEM((ntok,), jnp.int32),
            pltpu.VMEM((ntok,), jnp.int32),
            pltpu.VMEM((ntok, 8), jnp.float32),
            pltpu.VMEM((ntok, 8), jnp.float32),
            pltpu.VMEM((out_words,), jnp.float32),
            pltpu.VMEM((16,), jnp.float32),
            pltpu.VMEM((16,), jnp.int32),
            pltpu.SemaphoreType.DMA,
            pltpu.SemaphoreType.DMA,
        ],
        compiler_params=pltpu.CompilerParams(
            needs_layout_passes=False, use_tc_tiling_on_sc=False),
    )
    def sc_pool(tok_hbm, proj_hbm, bpair_hbm, out_hbm,
                tok0, tok1, rows0, rows1, out_v, b_v, cnt_v, sem0, sem1):
        wid = lax.axis_index("s") * 2 + lax.axis_index("c")
        pltpu.sync_copy(bpair_hbm, b_v)
        b_pair = b_v[...]

        iota = lax.iota(jnp.int32, 16)
        s_lo = lax.shift_right_logical(iota, 1)
        s_hi = s_lo + 8
        d_v = jnp.bitwise_and(iota, 1)
        zero_f = jnp.zeros((16,), jnp.float32)
        zero_i = jnp.zeros((16,), jnp.int32)

        def stage(j, tok_n, rows_n, sem_n):
            pltpu.sync_copy(tok_hbm.at[wid * bpt + j], tok_n)
            pltpu.async_copy(proj_hbm.at[tok_n], rows_n, sem_n)

        def compute(j, tok_c, rows_c):
            def tok_body(t, tc):
                a0, a1, c = tc
                base = jnp.full((16,), t * 16, jnp.int32)
                a0 = a0 + plsc.load_gather(rows_c, [base + s_lo, d_v])
                a1 = a1 + plsc.load_gather(rows_c, [base + s_hi, d_v])
                c = c + (tok_c[pl.ds(t * 16, 16)] != 0).astype(jnp.int32)
                return a0, a1, c

            a0, a1, c = lax.fori_loop(
                0, seq, tok_body, (zero_f, zero_f, zero_i))
            cnt_v[...] = c
            c0 = plsc.load_gather(cnt_v, [s_lo])
            c1 = plsc.load_gather(cnt_v, [s_hi])
            cf0 = jnp.maximum(c0, 1).astype(jnp.float32)
            cf1 = jnp.maximum(c1, 1).astype(jnp.float32)
            out_v[pl.ds(j * 32, 16)] = a0 / cf0 + b_pair
            out_v[pl.ds(j * 32 + 16, 16)] = a1 / cf1 + b_pair

        stage(0, tok0, rows0, sem0)
        bufs = ((tok0, rows0, sem0), (tok1, rows1, sem1))

        def pair_body(j2, carry):
            for h in (0, 1):
                j = j2 * 2 + h
                tok_c, rows_c, sem_c = bufs[h]
                tok_n, rows_n, sem_n = bufs[1 - h]

                @pl.when(j + 1 < bpt)
                def _():
                    stage(j + 1, tok_n, rows_n, sem_n)

                pltpu.make_async_copy(
                    proj_hbm.at[tok_c], rows_c, sem_c).wait()
                compute(j, tok_c, rows_c)
            return carry

        lax.fori_loop(0, bpt // 2, pair_body, 0)
        pltpu.sync_copy(out_v, out_hbm.at[pl.ds(wid * out_words, out_words)])

    return sc_pool


def kernel(token_ids, table, W, b):
    batch, seq = token_ids.shape
    wt = jnp.zeros((W.shape[1], 8), jnp.float32).at[:, :2].set(W.T)
    proj = _project_table(jnp.swapaxes(table, 0, 1), wt)
    tok_blocks = jnp.swapaxes(
        token_ids.reshape(batch // _BLK_SAMP, _BLK_SAMP, seq), 1, 2
    ).reshape(batch // _BLK_SAMP, seq * _BLK_SAMP)
    b_pair = jnp.tile(b.astype(jnp.float32), 8)
    out = _make_sc_pool(batch, seq)(tok_blocks, proj, b_pair)
    return out.reshape(batch, 2)

# --- scband reference (transcript-rebuilt; emitter-appended) ---
"""Pipeline reference for scband-simple-text-classifier-40827959116407 (READ-ONLY COPY).

The authoritative reference and input builder live on the scoring server;
editing this copy changes nothing except your own understanding.
"""

import jax, jax.numpy as jnp
import numpy as np

VOCAB = 1000000
EMBED_DIM = 64
NUM_CLASSES = 2
PADDING_IDX = 0
BATCH = 16384
SEQ_LEN = 200


def setup_inputs(seed: int = 0) -> dict:
    key = jax.random.key(seed)
    k_ids, k_tab, k_w, k_b = jax.random.split(key, 4)
    token_ids = jax.random.randint(k_ids, (BATCH, SEQ_LEN), 0, VOCAB, dtype=jnp.int64 if jax.config.jax_enable_x64 else jnp.int32)
    table = jax.random.normal(k_tab, (VOCAB, EMBED_DIM), dtype=jnp.float32) * 0.02
    # padding_idx row is zeroed in nn.Embedding
    table = table.at[PADDING_IDX].set(0.0)
    W = jax.random.normal(k_w, (NUM_CLASSES, EMBED_DIM), dtype=jnp.float32) * (1.0 / np.sqrt(EMBED_DIM))
    b = jnp.zeros((NUM_CLASSES,), dtype=jnp.float32)
    return {"token_ids": token_ids, "table": table, "W": W, "b": b}


def reference(token_ids, table, W, b):
    # Embedding lookup: (batch, seq_len, embed_dim)
    embeddings = jnp.take(table, token_ids, axis=0)
    # Padding mask: True where padding
    pad_mask = (token_ids == PADDING_IDX)
    keep = jnp.logical_not(pad_mask).astype(embeddings.dtype)  # (batch, seq_len)
    # Masked mean pooling (ignoring padding)
    summed = jnp.sum(embeddings * keep[:, :, None], axis=1)  # (batch, embed_dim)
    counts = jnp.maximum(jnp.sum(keep, axis=1, keepdims=True), 1.0)  # (batch, 1)
    pooled = summed / counts
    # Linear classifier
    logits = pooled @ W.T + b
    return logits

if __name__ == "__main__":
    import jax
    _d = setup_inputs()
    print(jax.jit(kernel)(*tuple(_d.values())))

</pallas_src>

<mosaic_0001>
#map = affine_map<(d0, d1) -> (0, 0)>
#map1 = affine_map<(d0, d1) -> (0)>
module attributes {stable_mosaic.version = 14 : i64} {
  func.func @sc_pool(%arg0: i32, %arg1: i32, %arg2: memref<1024x3200xi32, #tpu.memory_space<hbm>>, %arg3: memref<1000000x8xf32, #tpu.memory_space<hbm>>, %arg4: memref<16xf32, #tpu.memory_space<hbm>>, %arg5: memref<32768xf32, #tpu.memory_space<hbm>>, %arg6: memref<3200xi32, #tpu.memory_space<vmem>>, %arg7: memref<3200xi32, #tpu.memory_space<vmem>>, %arg8: memref<3200x8xf32, #tpu.memory_space<vmem>>, %arg9: memref<3200x8xf32, #tpu.memory_space<vmem>>, %arg10: memref<1024xf32, #tpu.memory_space<vmem>>, %arg11: memref<16xf32, #tpu.memory_space<vmem>>, %arg12: memref<16xi32, #tpu.memory_space<vmem>>, %arg13: memref<!tpu.dma_semaphore, #tpu.memory_space<semaphore_mem>>, %arg14: memref<!tpu.dma_semaphore, #tpu.memory_space<semaphore_mem>>) attributes {dimension_semantics = [#tpu.dimension_semantics<core_parallel>, #tpu.dimension_semantics<subcore_parallel>], iteration_bounds = array<i64: 2, 16>, scalar_prefetch = 0 : i64, scratch_operands = 9 : i64, tpu.core_type = #tpu.core_type<sc_vector_subcore>, window_params = [{transform_indices = #map}, {transform_indices = #map}, {transform_indices = #map1}, {transform_indices = #map1}]} {
    %mul3A = arith.constant 2 : i32
    %mul3A_0 = arith.muli %arg1, %mul3A : i32
    %add3A = arith.addi %mul3A_0, %arg0 : i32
    "tpu.region"() ({
      %run_scoped3A = tpu.sem_alloc : memref<!tpu.dma_semaphore, #tpu.memory_space<semaphore_mem>>
      tpu.enqueue_dma source(%arg4 : memref<16xf32, #tpu.memory_space<hbm>>) target(%arg11 : memref<16xf32, #tpu.memory_space<vmem>>) target_semaphore(%run_scoped3A : memref<!tpu.dma_semaphore, #tpu.memory_space<semaphore_mem>>)
      tpu.wait_dma2 semaphore(%run_scoped3A : memref<!tpu.dma_semaphore, #tpu.memory_space<semaphore_mem>>) src(%arg4 : memref<16xf32, #tpu.memory_space<hbm>>) dst(%arg11 : memref<16xf32, #tpu.memory_space<vmem>>)
      tpu.yield
    }) : () -> ()
    %get3A = arith.constant 0 : index
    %get3A_1 = tpu.vector_load %arg11[%get3A] {strides = array<i32>} : memref<16xf32, #tpu.memory_space<vmem>>, vector<16xf32>,
    %iota3A = tpu.iota {dimensions = array<i32: 0>} : vector<16xi32>
    %shift_right_logical3A = arith.constant 1 : i32
    %shift_right_logical3A_2 = vector.broadcast %shift_right_logical3A : i32 to vector<16xi32>
    %shift_right_logical3A_3 = arith.shrui %iota3A, %shift_right_logical3A_2 : vector<16xi32>
    %add3A_4 = arith.constant 8 : i32
    %add3A_5 = vector.broadcast %add3A_4 : i32 to vector<16xi32>
    %add3A_6 = arith.addi %shift_right_logical3A_3, %add3A_5 : vector<16xi32>
    %and3A = arith.constant 1 : i32
    %and3A_7 = vector.broadcast %and3A : i32 to vector<16xi32>
    %and3A_8 = arith.andi %iota3A, %and3A_7 : vector<16xi32>
    %broadcast_in_dim3A = arith.constant 0.000000e+00 : f32
    %broadcast_in_dim3A_9 = vector.broadcast %broadcast_in_dim3A : f32 to vector<16xf32>
    %broadcast_in_dim3A_10 = arith.constant 0 : i32
    %broadcast_in_dim3A_11 = vector.broadcast %broadcast_in_dim3A_10 : i32 to vector<16xi32>
    %mul3A_12 = arith.constant 32 : i32
    %mul3A_13 = arith.muli %add3A, %mul3A_12 : i32
    %add3A_14 = arith.constant 0 : i32
    %add3A_15 = arith.addi %mul3A_13, %add3A_14 : i32
    "tpu.region"() ({
      %run_scoped3A = tpu.sem_alloc : memref<!tpu.dma_semaphore, #tpu.memory_space<semaphore_mem>>
      %dma_start3A_25 = arith.constant 0 : i32
      %dma_start3A_26 = tpu.memref_slice %arg2[%add3A_15, %dma_start3A_25] : memref<1024x3200xi32, #tpu.memory_space<hbm>> -> memref<1x3200xi32, #tpu.memory_space<hbm>>
      %dma_start3A_27 = tpu.memref_squeeze %dma_start3A_26 : memref<1x3200xi32, #tpu.memory_space<hbm>> -> memref<3200xi32, #tpu.memory_space<hbm>>
      %dma_start3A_28 = arith.constant 0 : i32
      %dma_start3A_29 = tpu.memref_slice %arg2[%add3A_15, %dma_start3A_28] : memref<1024x3200xi32, #tpu.memory_space<hbm>> -> memref<1x3200xi32, #tpu.memory_space<hbm>>
      %dma_start3A_30 = tpu.memref_squeeze %dma_start3A_29 : memref<1x3200xi32, #tpu.memory_space<hbm>> -> memref<3200xi32, #tpu.memory_space<hbm>>
      tpu.enqueue_dma source(%dma_start3A_30 : memref<3200xi32, #tpu.memory_space<hbm>>) target(%arg6 : memref<3200xi32, #tpu.memory_space<vmem>>) target_semaphore(%run_scoped3A : memref<!tpu.dma_semaphore, #tpu.memory_space<semaphore_mem>>)
      %dma_wait3A = arith.constant 0 : i32
      %dma_wait3A_31 = tpu.memref_slice %arg2[%add3A_15, %dma_wait3A] : memref<1024x3200xi32, #tpu.memory_space<hbm>> -> memref<1x3200xi32, #tpu.memory_space<hbm>>
      %dma_wait3A_32 = tpu.memref_squeeze %dma_wait3A_31 : memref<1x3200xi32, #tpu.memory_space<hbm>> -> memref<3200xi32, #tpu.memory_space<hbm>>
      %dma_wait3A_33 = arith.constant 0 : i32
      %dma_wait3A_34 = tpu.memref_slice %arg2[%add3A_15, %dma_wait3A_33] : memref<1024x3200xi32, #tpu.memory_space<hbm>> -> memref<1x3200xi32, #tpu.memory_space<hbm>>
      %dma_wait3A_35 = tpu.memref_squeeze %dma_wait3A_34 : memref<1x3200xi32, #tpu.memory_space<hbm>> -> memref<3200xi32, #tpu.memory_space<hbm>>
      tpu.wait_dma2 semaphore(%run_scoped3A : memref<!tpu.dma_semaphore, #tpu.memory_space<semaphore_mem>>) src(%dma_wait3A_35 : memref<3200xi32, #tpu.memory_space<hbm>>) dst(%arg6 : memref<3200xi32, #tpu.memory_space<vmem>>)
      tpu.yield
    }) : () -> ()
    %dma_start3A = arith.constant 0 : i32
    %dma_start3A_16 = arith.constant 0 : i32
    %dma_start3A_17 = tpu.memref_slice %arg3[%dma_start3A, %dma_start3A_16] : memref<1000000x8xf32, #tpu.memory_space<hbm>> -> memref<1000000x8xf32, #tpu.memory_space<hbm>>
    tpu.enqueue_indirect_dma source(%dma_start3A_17 : memref<1000000x8xf32, #tpu.memory_space<hbm>>) target(%arg8 : memref<3200x8xf32, #tpu.memory_space<vmem>>) offsets(%arg6 : memref<3200xi32, #tpu.memory_space<vmem>>) semaphore(%arg13 : memref<!tpu.dma_semaphore, #tpu.memory_space<semaphore_mem>>)
    %scan3A = arith.constant 0 : i32
    %scan3A_18 = arith.constant 0 : i32
    %scan3A_19 = arith.constant 16 : i32
    %scan3A_20 = arith.addi %scan3A_18, %scan3A_19 : i32
    %scan3A_21 = arith.constant 1 : i32
    scf.for %scan3A_25 = %scan3A_18 to %scan3A_20 step %scan3A_21  : i32 {
      %mul3A_26 = arith.constant 2 : i32
      %mul3A_27 = arith.muli %scan3A_25, %mul3A_26 : i32
      %add3A_28 = arith.constant 0 : i32
      %add3A_29 = arith.addi %mul3A_27, %add3A_28 : i32
      %add3A_30 = arith.constant 1 : i32
      %add3A_31 = arith.addi %add3A_29, %add3A_30 : i32
      %lt3A = arith.constant 32 : i32
      %lt3A_32 = arith.cmpi slt, %add3A_31, %lt3A : i32
      %convert_element_type3A = arith.extui %lt3A_32 : i1 to i32
      %cond3A = arith.constant 0 : i32
      %cond3A_33 = arith.cmpi ne, %convert_element_type3A, %cond3A : i32
      scf.if %cond3A_33 {
        %add3A_110 = arith.constant 1 : i32
        %add3A_111 = arith.addi %add3A_29, %add3A_110 : i32
        %mul3A_112 = arith.constant 32 : i32
        %mul3A_113 = arith.muli %add3A, %mul3A_112 : i32
        %add3A_114 = arith.addi %mul3A_113, %add3A_111 : i32
        "tpu.region"() ({
          %run_scoped3A = tpu.sem_alloc : memref<!tpu.dma_semaphore, #tpu.memory_space<semaphore_mem>>
          %dma_start3A_118 = arith.constant 0 : i32
          %dma_start3A_119 = tpu.memref_slice %arg2[%add3A_114, %dma_start3A_118] : memref<1024x3200xi32, #tpu.memory_space<hbm>> -> memref<1x3200xi32, #tpu.memory_space<hbm>>
          %dma_start3A_120 = tpu.memref_squeeze %dma_start3A_119 : memref<1x3200xi32, #tpu.memory_space<hbm>> -> memref<3200xi32, #tpu.memory_space<hbm>>
          %dma_start3A_121 = arith.constant 0 : i32
          %dma_start3A_122 = tpu.memref_slice %arg2[%add3A_114, %dma_start3A_121] : memref<1024x3200xi32, #tpu.memory_space<hbm>> -> memref<1x3200xi32, #tpu.memory_space<hbm>>
          %dma_start3A_123 = tpu.memref_squeeze %dma_start3A_122 : memref<1x3200xi32, #tpu.memory_space<hbm>> -> memref<3200xi32, #tpu.memory_space<hbm>>
          tpu.enqueue_dma source(%dma_start3A_123 : memref<3200xi32, #tpu.memory_space<hbm>>) target(%arg7 : memref<3200xi32, #tpu.memory_space<vmem>>) target_semaphore(%run_scoped3A : memref<!tpu.dma_semaphore, #tpu.memory_space<semaphore_mem>>)
          %dma_wait3A_124 = arith.constant 0 : i32
          %dma_wait3A_125 = tpu.memref_slice %arg2[%add3A_114, %dma_wait3A_124] : memref<1024x3200xi32, #tpu.memory_space<hbm>> -> memref<1x3200xi32, #tpu.memory_space<hbm>>
          %dma_wait3A_126 = tpu.memref_squeeze %dma_wait3A_125 : memref<1x3200xi32, #tpu.memory_space<hbm>> -> memref<3200xi32, #tpu.memory_space<hbm>>
          %dma_wait3A_127 = arith.constant 0 : i32
          %dma_wait3A_128 = tpu.memref_slice %arg2[%add3A_114, %dma_wait3A_127] : memref<1024x3200xi32, #tpu.memory_space<hbm>> -> memref<1x3200xi32, #tpu.memory_space<hbm>>
          %dma_wait3A_129 = tpu.memref_squeeze %dma_wait3A_128 : memref<1x3200xi32, #tpu.memory_space<hbm>> -> memref<3200xi32, #tpu.memory_space<hbm>>
          tpu.wait_dma2 semaphore(%run_scoped3A : memref<!tpu.dma_semaphore, #tpu.memory_space<semaphore_mem>>) src(%dma_wait3A_129 : memref<3200xi32, #tpu.memory_space<hbm>>) dst(%arg7 : memref<3200xi32, #tpu.memory_space<vmem>>)
          tpu.yield
        }) : () -> ()
        %dma_start3A_115 = arith.constant 0 : i32
        %dma_start3A_116 = arith.constant 0 : i32
        %dma_start3A_117 = tpu.memref_slice %arg3[%dma_start3A_115, %dma_start3A_116] : memref<1000000x8xf32, #tpu.memory_space<hbm>> -> memref<1000000x8xf32, #tpu.memory_space<hbm>>
        tpu.enqueue_indirect_dma source(%dma_start3A_117 : memref<1000000x8xf32, #tpu.memory_space<hbm>>) target(%arg9 : memref<3200x8xf32, #tpu.memory_space<vmem>>) offsets(%arg7 : memref<3200xi32, #tpu.memory_space<vmem>>) semaphore(%arg14 : memref<!tpu.dma_semaphore, #tpu.memory_space<semaphore_mem>>)
      } else {
      }
      %dma_wait3A = arith.constant 0 : i32
      %dma_wait3A_34 = arith.constant 0 : i32
      %dma_wait3A_35 = tpu.memref_slice %arg3[%dma_wait3A, %dma_wait3A_34] : memref<1000000x8xf32, #tpu.memory_space<hbm>> -> memref<1000000x8xf32, #tpu.memory_space<hbm>>
      tpu.wait_indirect_dma semaphore(%arg13 : memref<!tpu.dma_semaphore, #tpu.memory_space<semaphore_mem>>) src(%dma_wait3A_35 : memref<1000000x8xf32, #tpu.memory_space<hbm>>) dst(%arg8 : memref<3200x8xf32, #tpu.memory_space<vmem>>)
      %scan3A_36 = arith.constant 0 : i32
      %scan3A_37 = arith.constant 200 : i32
      %scan3A_38 = arith.addi %scan3A_36, %scan3A_37 : i32
      %scan3A_39 = arith.constant 1 : i32
      %scan3A_40:3 = scf.for %scan3A_110 = %scan3A_36 to %scan3A_38 step %scan3A_39 iter_args(%scan3A_111 = %broadcast_in_dim3A_9, %scan3A_112 = %broadcast_in_dim3A_9, %scan3A_113 = %broadcast_in_dim3A_11) -> (vector<16xf32>, vector<16xf32>, vector<16xi32>)  : i32 {
        %mul3A_114 = arith.constant 16 : i32
        %mul3A_115 = arith.muli %scan3A_110, %mul3A_114 : i32
        %broadcast_in_dim3A_116 = vector.broadcast %mul3A_115 : i32 to vector<16xi32>
        %add3A_117 = arith.addi %broadcast_in_dim3A_116, %shift_right_logical3A_3 : vector<16xi32>
        %gather3A_118 = tpu.vector_load_idx %arg8[%add3A_117, %and3A_8] : memref<3200x8xf32, #tpu.memory_space<vmem>>[vector<16xi32>, vector<16xi32>], vector<16xf32>,
        %add3A_119 = arith.addf %scan3A_111, %gather3A_118 : vector<16xf32>
        %add3A_120 = arith.addi %broadcast_in_dim3A_116, %add3A_6 : vector<16xi32>
        %gather3A_121 = tpu.vector_load_idx %arg8[%add3A_120, %and3A_8] : memref<3200x8xf32, #tpu.memory_space<vmem>>[vector<16xi32>, vector<16xi32>], vector<16xf32>,
        %add3A_122 = arith.addf %scan3A_112, %gather3A_121 : vector<16xf32>
        %mul3A_123 = arith.constant 16 : i32
        %mul3A_124 = arith.muli %scan3A_110, %mul3A_123 : i32
        %get3A_125 = arith.index_cast %mul3A_124 : i32 to index
        %get3A_126 = tpu.vector_load %arg6[%get3A_125] {strides = array<i32>} : memref<3200xi32, #tpu.memory_space<vmem>>, vector<16xi32>,
        %ne3A = arith.constant 0 : i32
        %ne3A_127 = vector.broadcast %ne3A : i32 to vector<16xi32>
        %ne3A_128 = arith.cmpi ne, %get3A_126, %ne3A_127 : vector<16xi32>
        %convert_element_type3A_129 = arith.extui %ne3A_128 : vector<16xi1> to vector<16xi32>
        %add3A_130 = arith.addi %scan3A_113, %convert_element_type3A_129 : vector<16xi32>
        scf.yield %add3A_119, %add3A_122, %add3A_130 : vector<16xf32>, vector<16xf32>, vector<16xi32>
      }
      %scan3A_41 = arith.constant 200 : i32
      %swap3A = arith.constant 0 : index
      %swap3A_42 = tpu.vector_load %arg12[%swap3A] {strides = array<i32>} : memref<16xi32, #tpu.memory_space<vmem>>, vector<16xi32>,
      tpu.vector_store %arg12[%swap3A], %scan3A_40#2 {strides = array<i32>} : memref<16xi32, #tpu.memory_space<vmem>>, vector<16xi32>,
      %gather3A = tpu.vector_load_idx %arg12[%shift_right_logical3A_3] : memref<16xi32, #tpu.memory_space<vmem>>[vector<16xi32>], vector<16xi32>,
      %gather3A_43 = tpu.vector_load_idx %arg12[%add3A_6] : memref<16xi32, #tpu.memory_space<vmem>>[vector<16xi32>], vector<16xi32>,
      %max3A = arith.constant 1 : i32
      %max3A_44 = vector.broadcast %max3A : i32 to vector<16xi32>
      %max3A_45 = arith.maxsi %gather3A, %max3A_44 : vector<16xi32>
      %convert_element_type3A_46 = arith.sitofp %max3A_45 : vector<16xi32> to vector<16xf32>
      %max3A_47 = arith.constant 1 : i32
      %max3A_48 = vector.broadcast %max3A_47 : i32 to vector<16xi32>
      %max3A_49 = arith.maxsi %gather3A_43, %max3A_48 : vector<16xi32>
      %convert_element_type3A_50 = arith.sitofp %max3A_49 : vector<16xi32> to vector<16xf32>
      %div3A = arith.divf %scan3A_40#0, %convert_element_type3A_46 : vector<16xf32>
      %add3A_51 = arith.addf %div3A, %get3A_1 : vector<16xf32>
      %mul3A_52 = arith.constant 32 : i32
      %mul3A_53 = arith.muli %add3A_29, %mul3A_52 : i32
      %swap3A_54 = arith.index_cast %mul3A_53 : i32 to index
      %swap3A_55 = tpu.vector_load %arg10[%swap3A_54] {strides = array<i32>} : memref<1024xf32, #tpu.memory_space<vmem>>, vector<16xf32>,
      tpu.vector_store %arg10[%swap3A_54], %add3A_51 {strides = array<i32>} : memref<1024xf32, #tpu.memory_space<vmem>>, vector<16xf32>,
      %div3A_56 = arith.divf %scan3A_40#1, %convert_element_type3A_50 : vector<16xf32>
      %add3A_57 = arith.addf %div3A_56, %get3A_1 : vector<16xf32>
      %mul3A_58 = arith.constant 32 : i32
      %mul3A_59 = arith.muli %add3A_29, %mul3A_58 : i32
      %add3A_60 = arith.constant 16 : i32
      %add3A_61 = arith.addi %mul3A_59, %add3A_60 : i32
      %swap3A_62 = arith.index_cast %add3A_61 : i32 to index
      %swap3A_63 = tpu.vector_load %arg10[%swap3A_62] {strides = array<i32>} : memref<1024xf32, #tpu.memory_space<vmem>>, vector<16xf32>,
      tpu.vector_store %arg10[%swap3A_62], %add3A_57 {strides = array<i32>} : memref<1024xf32, #tpu.memory_space<vmem>>, vector<16xf32>,
      %mul3A_64 = arith.constant 2 : i32
      %mul3A_65 = arith.muli %scan3A_25, %mul3A_64 : i32
      %add3A_66 = arith.constant 1 : i32
      %add3A_67 = arith.addi %mul3A_65, %add3A_66 : i32
      %add3A_68 = arith.constant 1 : i32
      %add3A_69 = arith.addi %add3A_67, %add3A_68 : i32
      %lt3A_70 = arith.constant 32 : i32
      %lt3A_71 = arith.cmpi slt, %add3A_69, %lt3A_70 : i32
      %convert_element_type3A_72 = arith.extui %lt3A_71 : i1 to i32
      %cond3A_73 = arith.constant 0 : i32
      %cond3A_74 = arith.cmpi ne, %convert_element_type3A_72, %cond3A_73 : i32
      scf.if %cond3A_74 {
        %add3A_110 = arith.constant 1 : i32
        %add3A_111 = arith.addi %add3A_67, %add3A_110 : i32
        %mul3A_112 = arith.constant 32 : i32
        %mul3A_113 = arith.muli %add3A, %mul3A_112 : i32
        %add3A_114 = arith.addi %mul3A_113, %add3A_111 : i32
        "tpu.region"() ({
          %run_scoped3A = tpu.sem_alloc : memref<!tpu.dma_semaphore, #tpu.memory_space<semaphore_mem>>
          %dma_start3A_118 = arith.constant 0 : i32
          %dma_start3A_119 = tpu.memref_slice %arg2[%add3A_114, %dma_start3A_118] : memref<1024x3200xi32, #tpu.memory_space<hbm>> -> memref<1x3200xi32, #tpu.memory_space<hbm>>
          %dma_start3A_120 = tpu.memref_squeeze %dma_start3A_119 : memref<1x3200xi32, #tpu.memory_space<hbm>> -> memref<3200xi32, #tpu.memory_space<hbm>>
          %dma_start3A_121 = arith.constant 0 : i32
          %dma_start3A_122 = tpu.memref_slice %arg2[%add3A_114, %dma_start3A_121] : memref<1024x3200xi32, #tpu.memory_space<hbm>> -> memref<1x3200xi32, #tpu.memory_space<hbm>>
          %dma_start3A_123 = tpu.memref_squeeze %dma_start3A_122 : memref<1x3200xi32, #tpu.memory_space<hbm>> -> memref<3200xi32, #tpu.memory_space<hbm>>
          tpu.enqueue_dma source(%dma_start3A_123 : memref<3200xi32, #tpu.memory_space<hbm>>) target(%arg6 : memref<3200xi32, #tpu.memory_space<vmem>>) target_semaphore(%run_scoped3A : memref<!tpu.dma_semaphore, #tpu.memory_space<semaphore_mem>>)
          %dma_wait3A_124 = arith.constant 0 : i32
          %dma_wait3A_125 = tpu.memref_slice %arg2[%add3A_114, %dma_wait3A_124] : memref<1024x3200xi32, #tpu.memory_space<hbm>> -> memref<1x3200xi32, #tpu.memory_space<hbm>>
          %dma_wait3A_126 = tpu.memref_squeeze %dma_wait3A_125 : memref<1x3200xi32, #tpu.memory_space<hbm>> -> memref<3200xi32, #tpu.memory_space<hbm>>
          %dma_wait3A_127 = arith.constant 0 : i32
          %dma_wait3A_128 = tpu.memref_slice %arg2[%add3A_114, %dma_wait3A_127] : memref<1024x3200xi32, #tpu.memory_space<hbm>> -> memref<1x3200xi32, #tpu.memory_space<hbm>>
          %dma_wait3A_129 = tpu.memref_squeeze %dma_wait3A_128 : memref<1x3200xi32, #tpu.memory_space<hbm>> -> memref<3200xi32, #tpu.memory_space<hbm>>
          tpu.wait_dma2 semaphore(%run_scoped3A : memref<!tpu.dma_semaphore, #tpu.memory_space<semaphore_mem>>) src(%dma_wait3A_129 : memref<3200xi32, #tpu.memory_space<hbm>>) dst(%arg6 : memref<3200xi32, #tpu.memory_space<vmem>>)
          tpu.yield
        }) : () -> ()
        %dma_start3A_115 = arith.constant 0 : i32
        %dma_start3A_116 = arith.constant 0 : i32
        %dma_start3A_117 = tpu.memref_slice %arg3[%dma_start3A_115, %dma_start3A_116] : memref<1000000x8xf32, #tpu.memory_space<hbm>> -> memref<1000000x8xf32, #tpu.memory_space<hbm>>
        tpu.enqueue_indirect_dma source(%dma_start3A_117 : memref<1000000x8xf32, #tpu.memory_space<hbm>>) target(%arg8 : memref<3200x8xf32, #tpu.memory_space<vmem>>) offsets(%arg6 : memref<3200xi32, #tpu.memory_space<vmem>>) semaphore(%arg13 : memref<!tpu.dma_semaphore, #tpu.memory_space<semaphore_mem>>)
      } else {
      }
      %dma_wait3A_75 = arith.constant 0 : i32
      %dma_wait3A_76 = arith.constant 0 : i32
      %dma_wait3A_77 = tpu.memref_slice %arg3[%dma_wait3A_75, %dma_wait3A_76] : memref<1000000x8xf32, #tpu.memory_space<hbm>> -> memref<1000000x8xf32, #tpu.memory_space<hbm>>
      tpu.wait_indirect_dma semaphore(%arg14 : memref<!tpu.dma_semaphore, #tpu.memory_space<semaphore_mem>>) src(%dma_wait3A_77 : memref<1000000x8xf32, #tpu.memory_space<hbm>>) dst(%arg9 : memref<3200x8xf32, #tpu.memory_space<vmem>>)
      %scan3A_78 = arith.constant 0 : i32
      %scan3A_79 = arith.constant 200 : i32
      %scan3A_80 = arith.addi %scan3A_78, %scan3A_79 : i32
      %scan3A_81 = arith.constant 1 : i32
      %scan3A_82:3 = scf.for %scan3A_110 = %scan3A_78 to %scan3A_80 step %scan3A_81 iter_args(%scan3A_111 = %broadcast_in_dim3A_9, %scan3A_112 = %broadcast_in_dim3A_9, %scan3A_113 = %broadcast_in_dim3A_11) -> (vector<16xf32>, vector<16xf32>, vector<16xi32>)  : i32 {
        %mul3A_114 = arith.constant 16 : i32
        %mul3A_115 = arith.muli %scan3A_110, %mul3A_114 : i32
        %broadcast_in_dim3A_116 = vector.broadcast %mul3A_115 : i32 to vector<16xi32>
        %add3A_117 = arith.addi %broadcast_in_dim3A_116, %shift_right_logical3A_3 : vector<16xi32>
        %gather3A_118 = tpu.vector_load_idx %arg9[%add3A_117, %and3A_8] : memref<3200x8xf32, #tpu.memory_space<vmem>>[vector<16xi32>, vector<16xi32>], vector<16xf32>,
        %add3A_119 = arith.addf %scan3A_111, %gather3A_118 : vector<16xf32>
        %add3A_120 = arith.addi %broadcast_in_dim3A_116, %add3A_6 : vector<16xi32>
        %gather3A_121 = tpu.vector_load_idx %arg9[%add3A_120, %and3A_8] : memref<3200x8xf32, #tpu.memory_space<vmem>>[vector<16xi32>, vector<16xi32>], vector<16xf32>,
        %add3A_122 = arith.addf %scan3A_112, %gather3A_121 : vector<16xf32>
        %mul3A_123 = arith.constant 16 : i32
        %mul3A_124 = arith.muli %scan3A_110, %mul3A_123 : i32
        %get3A_125 = arith.index_cast %mul3A_124 : i32 to index
        %get3A_126 = tpu.vector_load %arg7[%get3A_125] {strides = array<i32>} : memref<3200xi32, #tpu.memory_space<vmem>>, vector<16xi32>,
        %ne3A = arith.constant 0 : i32
        %ne3A_127 = vector.broadcast %ne3A : i32 to vector<16xi32>
        %ne3A_128 = arith.cmpi ne, %get3A_126, %ne3A_127 : vector<16xi32>
        %convert_element_type3A_129 = arith.extui %ne3A_128 : vector<16xi1> to vector<16xi32>
        %add3A_130 = arith.addi %scan3A_113, %convert_element_type3A_129 : vector<16xi32>
        scf.yield %add3A_119, %add3A_122, %add3A_130 : vector<16xf32>, vector<16xf32>, vector<16xi32>
      }
      %scan3A_83 = arith.constant 200 : i32
      %swap3A_84 = arith.constant 0 : index
      %swap3A_85 = tpu.vector_load %arg12[%swap3A_84] {strides = array<i32>} : memref<16xi32, #tpu.memory_space<vmem>>, vector<16xi32>,
      tpu.vector_store %arg12[%swap3A_84], %scan3A_82#2 {strides = array<i32>} : memref<16xi32, #tpu.memory_space<vmem>>, vector<16xi32>,
      %gather3A_86 = tpu.vector_load_idx %arg12[%shift_right_logical3A_3] : memref<16xi32, #tpu.memory_space<vmem>>[vector<16xi32>], vector<16xi32>,
      %gather3A_87 = tpu.vector_load_idx %arg12[%add3A_6] : memref<16xi32, #tpu.memory_space<vmem>>[vector<16xi32>], vector<16xi32>,
      %max3A_88 = arith.constant 1 : i32
      %max3A_89 = vector.broadcast %max3A_88 : i32 to vector<16xi32>
      %max3A_90 = arith.maxsi %gather3A_86, %max3A_89 : vector<16xi32>
      %convert_element_type3A_91 = arith.sitofp %max3A_90 : vector<16xi32> to vector<16xf32>
      %max3A_92 = arith.constant 1 : i32
      %max3A_93 = vector.broadcast %max3A_92 : i32 to vector<16xi32>
      %max3A_94 = arith.maxsi %gather3A_87, %max3A_93 : vector<16xi32>
      %convert_element_type3A_95 = arith.sitofp %max3A_94 : vector<16xi32> to vector<16xf32>
      %div3A_96 = arith.divf %scan3A_82#0, %convert_element_type3A_91 : vector<16xf32>
      %add3A_97 = arith.addf %div3A_96, %get3A_1 : vector<16xf32>
      %mul3A_98 = arith.constant 32 : i32
      %mul3A_99 = arith.muli %add3A_67, %mul3A_98 : i32
      %swap3A_100 = arith.index_cast %mul3A_99 : i32 to index
      %swap3A_101 = tpu.vector_load %arg10[%swap3A_100] {strides = array<i32>} : memref<1024xf32, #tpu.memory_space<vmem>>, vector<16xf32>,
      tpu.vector_store %arg10[%swap3A_100], %add3A_97 {strides = array<i32>} : memref<1024xf32, #tpu.memory_space<vmem>>, vector<16xf32>,
      %div3A_102 = arith.divf %scan3A_82#1, %convert_element_type3A_95 : vector<16xf32>
      %add3A_103 = arith.addf %div3A_102, %get3A_1 : vector<16xf32>
      %mul3A_104 = arith.constant 32 : i32
      %mul3A_105 = arith.muli %add3A_67, %mul3A_104 : i32
      %add3A_106 = arith.constant 16 : i32
      %add3A_107 = arith.addi %mul3A_105, %add3A_106 : i32
      %swap3A_108 = arith.index_cast %add3A_107 : i32 to index
      %swap3A_109 = tpu.vector_load %arg10[%swap3A_108] {strides = array<i32>} : memref<1024xf32, #tpu.memory_space<vmem>>, vector<16xf32>,
      tpu.vector_store %arg10[%swap3A_108], %add3A_103 {strides = array<i32>} : memref<1024xf32, #tpu.memory_space<vmem>>, vector<16xf32>,
    }
    %scan3A_22 = arith.constant 16 : i32
    %mul3A_23 = arith.constant 1024 : i32
    %mul3A_24 = arith.muli %add3A, %mul3A_23 : i32
    "tpu.region"() ({
      %run_scoped3A = tpu.sem_alloc : memref<!tpu.dma_semaphore, #tpu.memory_space<semaphore_mem>>
      %dma_start3A_25 = tpu.memref_slice %arg5[%mul3A_24] : memref<32768xf32, #tpu.memory_space<hbm>> -> memref<1024xf32, #tpu.memory_space<hbm>>
      %dma_start3A_26 = tpu.memref_slice %arg5[%mul3A_24] : memref<32768xf32, #tpu.memory_space<hbm>> -> memref<1024xf32, #tpu.memory_space<hbm>>
      tpu.enqueue_dma source(%arg10 : memref<1024xf32, #tpu.memory_space<vmem>>) target(%dma_start3A_26 : memref<1024xf32, #tpu.memory_space<hbm>>) target_semaphore(%run_scoped3A : memref<!tpu.dma_semaphore, #tpu.memory_space<semaphore_mem>>)
      %dma_wait3A = tpu.memref_slice %arg5[%mul3A_24] : memref<32768xf32, #tpu.memory_space<hbm>> -> memref<1024xf32, #tpu.memory_space<hbm>>
      %dma_wait3A_27 = tpu.memref_slice %arg5[%mul3A_24] : memref<32768xf32, #tpu.memory_space<hbm>> -> memref<1024xf32, #tpu.memory_space<hbm>>
      tpu.wait_dma2 semaphore(%run_scoped3A : memref<!tpu.dma_semaphore, #tpu.memory_space<semaphore_mem>>) src(%arg10 : memref<1024xf32, #tpu.memory_space<vmem>>) dst(%dma_wait3A_27 : memref<1024xf32, #tpu.memory_space<hbm>>)
      tpu.yield
    }) : () -> ()
    return
  }
}

module attributes {stable_mosaic.version = 14 : i64} {
  func.func @_proj_body(%arg0: i32, %arg1: memref<64x8192xf32, #tpu.memory_space<vmem>>, %arg2: memref<64x8xf32, #tpu.memory_space<vmem>>, %arg3: memref<8192x8xf32, #tpu.memory_space<vmem>>) attributes {dimension_semantics = [#tpu.dimension_semantics<arbitrary>], iteration_bounds = array<i64: 123>, scalar_prefetch = 0 : i64, scratch_operands = 0 : i64, tpu.core_type = #tpu.core_type<tc>, window_params = [{transform_indices = @transform_0, window_bounds = array<i64: 64, 8192>}, {pipeline_mode = #tpu.pipeline_mode<synchronous>, transform_indices = @transform_1, window_bounds = array<i64: 64, 8>}, {transform_indices = @transform_2, window_bounds = array<i64: 8192, 8>}]} {
    %get3A = arith.constant 0 : index
    %get3A_0 = arith.constant 0 : index
    %get3A_1 = vector.load %arg1[%get3A, %get3A_0] : memref<64x8192xf32, #tpu.memory_space<vmem>>, vector<64x8192xf32>
    %get3A_2 = arith.constant 0 : index
    %get3A_3 = arith.constant 0 : index
    %get3A_4 = vector.load %arg2[%get3A_2, %get3A_3] : memref<64x8xf32, #tpu.memory_space<vmem>>, vector<64x8xf32>
    %dot_general3A = arith.constant dense<0.000000e+00> : vector<8192x8xf32>
    %dot_general3A_5 = tpu.matmul %get3A_1, %get3A_4, %dot_general3A {dimension_numbers = #tpu.dot_dimension_numbers<[0], [0], [1], [1], [0, 1, 1, 1], [], []>, transpose_lhs_hint = false} : vector<64x8192xf32>, vector<64x8xf32>, vector<8192x8xf32> -> vector<8192x8xf32>
    %swap3A = arith.constant 0 : index
    %swap3A_6 = arith.constant 0 : index
    %swap3A_7 = vector.load %arg3[%swap3A, %swap3A_6] : memref<8192x8xf32, #tpu.memory_space<vmem>>, vector<8192x8xf32>
    tpu.vector_store %arg3[%swap3A, %swap3A_6], %dot_general3A_5 {strides = array<i32>} : memref<8192x8xf32, #tpu.memory_space<vmem>>, vector<8192x8xf32>,
    return
  }
  func.func @transform_0(%arg0: i32) -> (i32, i32) {
    %c0_i32 = arith.constant 0 : i32
    %c0_i32_0 = arith.constant 0 : i32
    return %c0_i32, %arg0 : i32, i32
  }
  func.func @transform_1(%arg0: i32) -> (i32, i32) {
    %c0_i32 = arith.constant 0 : i32
    %c0_i32_0 = arith.constant 0 : i32
    %c0_i32_1 = arith.constant 0 : i32
    return %c0_i32, %c0_i32_0 : i32, i32
  }
  func.func @transform_2(%arg0: i32) -> (i32, i32) {
    %c0_i32 = arith.constant 0 : i32
    %c0_i32_0 = arith.constant 0 : i32
    return %arg0, %c0_i32 : i32, i32
  }
}

</mosaic_0001>

<sc_bundles>
// kernel: kernel.4.cloned.1.call-start
scs
__scs_entry_jumppad:
0x0: {  	(pc) =	sbr.rel $0x88, $3  }
0x1: {  	(tag) =	ssettag $0x0;
	lr =	simm.s32 $0x1  }
0x2: {  	[smem:$0x3F9D] =	sst lr;
	_ =	strace $0xD0000000  }
0x3: {  	_ = 	snop  }
0x4: {  	_ = 	snop  }
0x5: {  	_ = 	snop  }
0x6: {  	_ = 	snop  }
0x7: {  	_ = 	snop  }
__scs_overlays_trampoline_lowered:
0x8: {  	[smem:$0x3FAC] =	sst s0  }
0x9: {  	[smem:$0x3FAD] =	sst s1  }
0xa: {  	[smem:$0x3FAE] =	sst s2  }
0xb: {  	[smem:$0x3FAF] =	sst s3  }
0xc: {  	[smem:$0x3FB0] =	sst s4  }
0xd: {  	[smem:$0x3FB1] =	sst s5  }
0xe: {  	[smem:$0x3FB2] =	sst s6  }
0xf: {  	[smem:$0x3FB3] =	sst s7  }
0x10: {  	[smem:$0x3FB4] =	sst s8  }
0x11: {  	[smem:$0x3FB5] =	sst s9;
	s0 =	simm.s32 @!p0 $0x0  }
0x12: {  	s1 =	sld [smem:$0x3F9B];
	s0 =	simm.s32 @p0 $0x1  }
0x13: {  	[smem:$0x3FB6] =	sst s0;
	s0 =	simm.s32 @!p1 $0x0  }
0x14: {  	s2 =	sld [smem:$0x3F9A];
	s0 =	simm.s32 @p1 $0x1  }
0x15: {  	[smem:$0x3FB7] =	sst s0;
	s0 =	simm.s32 @!p2 $0x0  }
0x16: {  	s3 =	sld [smem:$0x3FDB];
	s0 =	simm.s32 @p2 $0x1  }
0x17: {  	s4 =	simm.s32 $0x1BF5;
	[smem:$0x3FB9] =	sst s0  }
0x18: {  	s0 =	sld [smem:$0x3F9C];
	_ =	swait.ge [sflag:s4], $0x0  }
0x19: {  	s7 =	sld [smem:$0x3F9D]  }
0x1a: {  	s8 =	sadd.s32 $0xFFFFE003, lr  }
0x1b: {  	s9 =	sadd.s32 $0xFFFFFEF7, lr;
	s5 =	simm.s32 $0xFFFFFFFF;
	p2 =	slt.u32 s8, $0xFFFFF086  }
0x1c: {  	p1 =	slt.u32 s9, $0xF7A;
	s5 =	simm.s32 @!p2 $0x0  }
0x1d: {  	s5 =	simm.s32 @p1 $0x1;
	p0 =	seq.s32 s7, s2  }
0x1e: {  	s7 =	smul.u32 @!p0 $0xF7A, s2;
	p2 =	seq.s32 @!p0 s5, $0x0  }
0x1f: {  	s9 =	smul.u32 $0xF7A, s1;
	s8 =	simm.s32 @!p0 $0x1BF5;
	p2 =	por !p2, p0  }
0x20: {  	[sflag:s8] =	ssyncset.s32 @!p0 $0xFFFFF086;
	s6 =	sadd.s32 @!p0 s3, s7;
	s7 =	simm.s32 @!p0 $0x108  }
0x21: {  	s3 =	sadd.s32 s3, s9;
	s6 =	sadd.s32 @!p0 $0x88, s6;
	s7 =	simm.s32 @p2 $0x1082  }
0x22: {  	[simem:s7], [sflag:s8] =	dma.local @!p0 [hbm:s6], $0xF7A  }
0x23: {  	s9 =	sor.u32 $0xD0000000, s2;
	s6 =	simm.s32 $0x108;
	_ =	swait.ge @!p0 [sflag:s8], $0x0  }
0x24: {  	s3 =	sadd.s32 $0x88, s3;
	s6 =	simm.s32 @!p1 $0x1082;
	[sflag:s4] =	ssyncset.s32 $0xFFFFF086  }
0x25: {  	[simem:s6], [sflag:s4] =	dma.local [hbm:s3], $0xF7A  }
0x26: {  	[smem:$0x3F9D] =	sst s1;
	(tag) =	ssettag s2;
	_ =	strace s9  }
0x27: {  	s1 =	sld [smem:$0x3FAD]  }
0x28: {  	s2 =	sld [smem:$0x3FAE]  }
0x29: {  	s4 =	sld [smem:$0x3FB0]  }
0x2a: {  	p0 =	seq.s32 s5, $0x0;
	s5 =	sld [smem:$0x3FB1]  }
0x2b: {  	s6 =	sld [smem:$0x3FB2]  }
0x2c: {  	s7 =	sld [smem:$0x3FB3]  }
0x2d: {  	s3 =	simm.s32 $0x108;
	s8 =	sld [smem:$0x3FB4]  }
0x2e: {  	s3 =	simm.s32 @!p0 $0x1082;
	s9 =	sld [smem:$0x3FB5]  }
0x2f: {  	lr =	sadd.s32 s0, s3;
	s0 =	sld [smem:$0x3FAC]  }
0x30: {  	s3 =	sld [smem:$0x3FAF]  }
0x31: {  	[smem:$0x3FB8] =	sst s10  }
0x32: {  	s10 =	sld [smem:$0x3FB6];
	_ =	sdelay $0x3  }
0x33: {  	p0 =	seq.s32 s10, $0x1;
	s10 =	sld [smem:$0x3FB8];
	_ =	sdelay $0x3  }
0x34: {  	[smem:$0x3FB8] =	sst s10  }
0x35: {  	s10 =	sld [smem:$0x3FB7];
	_ =	sdelay $0x3  }
0x36: {  	p1 =	seq.s32 s10, $0x1;
	s10 =	sld [smem:$0x3FB8];
	_ =	sdelay $0x3  }
0x37: {  	[smem:$0x3FB8] =	sst s10  }
0x38: {  	s10 =	sld [smem:$0x3FB9]  }
0x39: {  	_ = 	snop;
	(pc) =	sbr.ind lr, $3  }
0x3a: {  	_ = 	snop  }
0x3b: {  	_ = 	snop  }
0x3c: {  	p2 =	seq.s32 s10, $0x1;
	s10 =	sld [smem:$0x3FB8]  }
0x3d: {  	_ =	shalt  }
0x3e: {  	_ =	shalt  }
0x3f: {  	_ =	shalt  }
0x40: {  	_ =	shalt  }
0x41: {  	_ =	shalt  }
0x42: {  	_ =	shalt  }
0x43: {  	_ =	shalt  }
0x44: {  	_ =	shalt  }
0x45: {  	_ =	shalt  }
0x46: {  	_ =	shalt  }
0x47: {  	_ =	shalt  }
0x48: {  	_ =	shalt  }
0x49: {  	_ =	shalt  }
0x4a: {  	_ =	shalt  }
0x4b: {  	_ =	shalt  }
0x4c: {  	_ =	shalt  }
0x4d: {  	_ =	shalt  }
0x4e: {  	_ =	shalt  }
0x4f: {  	_ =	shalt  }
0x50: {  	_ =	shalt  }
0x51: {  	_ =	shalt  }
0x52: {  	_ =	shalt  }
0x53: {  	_ =	shalt  }
0x54: {  	_ =	shalt  }
0x55: {  	_ =	shalt  }
0x56: {  	_ =	shalt  }
0x57: {  	_ =	shalt  }
0x58: {  	_ =	shalt  }
0x59: {  	_ =	shalt  }
0x5a: {  	_ =	shalt  }
0x5b: {  	_ =	shalt  }
0x5c: {  	_ =	shalt  }
0x5d: {  	_ =	shalt  }
0x5e: {  	_ =	shalt  }
0x5f: {  	_ =	shalt  }
0x60: {  	_ =	shalt  }
0x61: {  	_ =	shalt  }
0x62: {  	_ =	shalt  }
0x63: {  	_ =	shalt  }
0x64: {  	_ =	shalt  }
0x65: {  	_ =	shalt  }
0x66: {  	_ =	shalt  }
0x67: {  	_ =	shalt  }
0x68: {  	_ =	shalt  }
0x69: {  	_ =	shalt  }
0x6a: {  	_ =	shalt  }
0x6b: {  	_ =	shalt  }
0x6c: {  	_ =	shalt  }
0x6d: {  	_ =	shalt  }
0x6e: {  	_ =	shalt  }
0x6f: {  	_ =	shalt  }
0x70: {  	_ =	shalt  }
0x71: {  	_ =	shalt  }
0x72: {  	_ =	shalt  }
0x73: {  	_ =	shalt  }
0x74: {  	_ =	shalt  }
0x75: {  	_ =	shalt  }
0x76: {  	_ =	shalt  }
0x77: {  	_ =	shalt  }
0x78: {  	_ =	shalt  }
0x79: {  	_ =	shalt  }
0x7a: {  	_ =	shalt  }
0x7b: {  	_ =	shalt  }
0x7c: {  	_ =	shalt  }
0x7d: {  	_ =	shalt  }
0x7e: {  	_ =	shalt  }
0x7f: {  	_ =	shalt  }
0x80: {  	_ =	shalt  }
0x81: {  	_ =	shalt  }
0x82: {  	_ =	shalt  }
0x83: {  	_ =	shalt  }
0x84: {  	_ =	shalt  }
0x85: {  	_ =	shalt  }
0x86: {  	_ =	shalt  }
0x87: {  	_ =	shalt  }
.Lfunc_end0:
.L_simem_size_0:
called_computation_lowered:
.L_overlay_start_0:
0x88: {  	s2 =	sld [smem:$0x3FD9]  }
0x89: {  	s3 =	sld [smem:$0x3FFE];
	_ =	sdelay $0x1  }
0x8a: {  	s1 =	srdreg.scid  }
0x8b: {  	s0 =	sand.u32 $0x1, s1  }
0x8c: {  	s17 =	sshll.u32 s0, $0xA;
	s2 =	sadd.s32 s3, s2  }
0x8d: {  	s2 =	sadd.s32 s2, s17  }
0x8e: {  	[smem:$0x3FC4] =	sst s2  }
0x8f: {  	_ = 	snop  }
0x90: {  	s2 =	sld [smem:$0x3FD0];
	(tm) =	ssettm $0x1  }
0x91: {  	s18 =	sld [smem:$0x3FFB];
	_ =	sdelay $0x3  }
0x92: {  	_ =	strace s18  }
0x93: {  	s3 =	sld [smem:$0x3FFC];
	_ =	sdelay $0x3  }
0x94: {  	_ =	strace s3  }
0x95: {  	s3 =	sld [smem:$0x3FFD];
	_ =	sdelay $0x3  }
0x96: {  	_ =	strace s3  }
0x97: {  	_ =	strace $0x8FFFFFFF  }
0x98: {  	s19 =	sld [smem:$0x3FDB];
	_ =	sdelay $0x1  }
0x99: {  	s4 =	simm.s32 $_scs_section_size  }
0x9a: {  	s5 =	simm.s32 $_size__tile_overlayer_lowered;
	s6 =	simm.s32 $_tile_overlayer_lowered  }
0x9b: {  	s22 =	simm.s32 $0x1BFF;
	s21 =	sshll.u32 s6, $0x1;
	s3 =	sadd.s32 s4, s19  }
0x9c: {  	s7 =	simm.s32 $0x0;
	s20 =	sshll.u32 s5, $0x1;
	s5 =	sadd.s32 s21, s3  }
0x9d: {  	[timem:s7], [sflag:s22] =	dma.local [hbm:s5], s20  }
0x9e: {  	_ =	swait.ge [sflag:s22], s20  }
0x9f: {  	s4 =	ssub.s32 $0x0, s20;
	[sflag:s22] =	ssyncset.done $0x0  }
0xa0: {  	[sflag:s22] =	ssyncadd.s32 s4;
	_ =	sdelay $0x1  }
0xa1: {  	s23 =	simm.s32 $0x1B8B  }
0xa2: {  	_ =	swait.ge [sflag:s23], $0x1  }
0xa3: {  	[sflag:s23] =	ssyncset.done $0x0  }
0xa4: {  	s25 =	simm.s32 $0x1B8E;
	s24 =	sld [smem:$0x3FFE];
	[sflag:s23] =	ssyncadd.s32 $0xFFFFFFFF  }
0xa5: {  	s26 =	simm.s32 $execute0_lowered;
	[smem:$0x3FD2] =	sst s25  }
0xa6: {  	s5 =	sshll.u32 s26, $0x1;
	_ =	strace $0x80000046;
	[dreg:$0x1] =	wrdreg $0xFFFFFFFF  }
0xa7: {  	s28 =	simm.s32 $_size_execute0_lowered;
	s3 =	sadd.s32 s3, s5;
	[dreg:$0x0] =	wrdreg $0x0  }
0xa8: {  	s5 =	sshll.u32 s28, $0x1;
	[dreg:$0x2] =	wrdreg s3  }
0xa9: {  	[dreg:$0x3] =	wrdreg s5  }
0xaa: {  	[dreg:$0x4] =	wrdreg $0xC0  }
0xab: {  	_ =	task [dreg:s7], $0x5FFFF  }
0xac: {  	[dreg:$0x1] =	wrdreg $0xFFFFFFFF  }
0xad: {  	[dreg:$0x0] =	wrdreg $0x60  }
0xae: {  	[dreg:$0x2] =	wrdreg s24  }
0xaf: {  	[dreg:$0x3] =	wrdreg s2  }
0xb0: {  	[dreg:$0x4] =	wrdreg $0x9  }
0xb1: {  	_ =	task.clear_ibuf [dreg:s7], $0x5FFFF;
	_ =	strace $0x90000046  }
0xb2: {  	s29 =	simm.s32 $0x9;
	_ =	strace $0x80000048  }
0xb3: {  	_ =	swait.ge [sflag:s29], $0x1  }
0xb4: {  	[sflag:s29] =	ssyncadd.s32 $0xFFFFFFFF  }
0xb5: {  	_ =	strace $0x90000048  }
0xb6: {  	_ =	sfence  }
0xb7: {  	s30 =	sld [smem:$0x0];
	_ =	sdelay $0x2  }
0xb8: {  	s31 =	sshll.u32 s1, $0xD;
	s1 =	sshrl.u32 s1, $0x2  }
0xb9: {  	s3 =	sand.u32 $0x4000, s31;
	s1 =	sadd.s32 s1, s30  }
0xba: {  	s0 =	sor.u32 s3, s0;
	s1 =	sshll.u32 s1, $0x11  }
0xbb: {  	s0 =	sor.u32 s1, s0  }
0xbc: {  	s0 =	sadd.s32 $0x8F2B, s0  }
0xbd: {  	[sflag:s0] =	ssyncadd.remote.s32 $0x1  }
0xbe: {  	_ =	sfence.sel $0xFFFF  }
0xbf: {  	[dreg:$0x0] =	wrdreg $0xFFFFFFFF;
	(pc) =	sbr.abs _section_cstart, $3  }
0xc0: {  	[dreg:$0x1] =	wrdreg $0xFFFFFFFF  }
0xc1: {  	_ =	task.clear_ibuf [dreg:s7], $0x2FFFF;
	_ =	strace $0x9FFFFFFF  }
0xc2: {  	(tm) =	ssettm $0x7FFFFFFF  }
0xc3: {  	_ =	shalt  }
tec
execute0_lowered:
.L_overlay_start_1:
0x0: {  	(tag) =	ssettag $0x1  }
0x1: {  	s5 =	rddreg [dreg:$0x0]  }
0x2: {  	s9 =	rddreg [dreg:$0x1]  }
0x3: {  	s0 =	rddreg [dreg:$0x2];
	s2 =	simm.s32 $0x0;
	s3 =	srdreg.scid  }
0x4: {  	s1 =	stileid.u32;
	s12 =	simm.s32 $0x3;
	s13 =	simm.s32 $0xC80  }
0x5: {  	s14 =	simm.s32 $0x1900;
	s15 =	simm.s32 $0x7D00;
	s16 =	simm.s32 $0x1  }
0x6: {  	s17 =	simm.s32 $0xE510;
	s18 =	simm.s32 $0x2;
	s19 =	simm.s32 $0xE100  }
0x7: {  	s20 =	simm.s32 $0x0;
	s26 =	simm.s32 $0x0;
	[smem:$0x7FF] =	sst s2  }
0x8: {  	s4 =	sand.u32 $0x1, s3;
	s6 =	sshll.u32 s1, $0x1;
	s3 =	sadd.s32 $0x400, s5  }
0x9: {  	v3 =	vlaneseq.u32;
	_ =	strace $0x80000047;
	s7 =	ssub.s32 $0x2, s4;
	s10 =	sor.u32 s4, s6  }
0xa: {  	v0 =	vshrl.u32 v3, $0x1;
	s4 =	sadd.s32 $0xF42800, s5;
	s5 =	sadd.s32 $0x64400, s5;
	s8 =	smul.u32 $0x3200, s10  }
0xb: {  	v1 =	vmul.u32 $0x8, v0;
	s31 =	sshrl.u32 s7, $0x1;
	s6 =	sshll.u32 s10, $0x5;
	s10 =	sshll.u32 s10, $0x7  }
0xc: {  	v4 =	vimm.s32 $0x0;
	s11 =	ssub.s32 s7, s31;
	s9 =	sadd.s32 s9, s10;
	s7 =	sadd.s32 s3, s8  }
0xd: {  	v3 =	vand.u32 $0x1, v3;
	v5 =	vor.u32 $0x8, v0;
	v2 =	vor.u32 $0x40, v1;
	s8 =	sor.u32 $0x2, s6;
	s10 =	smax.u32 s11, $0x1;
	s11 =	simm.s32 $0xE500  }
.LBB2_1:
0xe: {  	[tilespmem:s11], [sflag:$0x3] =	stream.linear.gather [hbm4b:s5+s2], $0x10, $0x38;
	[tilespmem:$0xE520] =	vst v63  }
0xf: {  	_ =	swait.ge [sflag:s12], $0x10  }
0x10: {  	[sflag:s12] =	ssyncset.done $0x0  }
0x11: {  	[sflag:s12] =	ssyncadd.s32 $0xFFFFFFF0  }
0x12: {  	v6 =	vld [tilespmem:$0xE500];
	[tilespmem:s2], [sflag:$0x3] =	stream.linear.gather [hbm4b:s7+s2], $0xC80, $0x38  }
0x13: {  	_ =	swait.ge [sflag:s12], $0xC80  }
0x14: {  	[sflag:s12] =	ssyncset.done $0x0  }
0x15: {  	s21 =	simm.s32 $0x0;
	[sflag:s12] =	ssyncadd.s32 $0xFFFFF380  }
0x16: {  	[tilespmem:s14], [sflag:$0x1] =	stream.indirect.gather [hbm4b:s4+s13], $0x8, s2, s13, $0xb8;
	[tilespmem:$0xE520] =	vst v63  }
.LBB2_2:
0x17: {  	s22 =	sshllo.u32 s21, $0x1  }
0x18: {  	s23 =	sadd.s32 s6, s22  }
0x19: {  	s23 =	smul.u32 $0x190, s23;
	_ =	sdelay $0x1  }
0x1a: {  	s25 =	simm.s32 $0x0;
	s23 =	sadd.s32 s3, s23  }
0x1b: {  	[tilespmem:s13], [sflag:$0x3] =	stream.linear.gather [hbm4b:s23+s25], $0xC80, $0x38;
	[tilespmem:$0xE520] =	vst v63  }
0x1c: {  	_ =	swait.ge [sflag:s12], $0xC80  }
0x1d: {  	[sflag:s12] =	ssyncset.done $0x0  }
0x1e: {  	v7 =	vmov s25;
	[sflag:s12] =	ssyncadd.s32 $0xFFFFF380  }
0x1f: {  	v7 =	vshll.u32 v7, $0x3;
	[tilespmem:s15], [sflag:$0x2] =	stream.indirect.gather [hbm4b:s4+s13], $0x8, s13, s13, $0xb8;
	[tilespmem:$0xE520] =	vst v63  }
0x20: {  	v8 =	vor.u32 v2, v7;
	_ =	swait.ge [sflag:s16], $0x6400  }
0x21: {  	v7 =	vor.u32 v1, v7;
	v8 =	vor.u32 v3, v8;
	[sflag:s16] =	ssyncset.done $0x0  }
0x22: {  	s24 =	simm.s32 $0x10;
	v9 =	vor.u32 v3, v7;
	[sflag:s16] =	ssyncadd.s32 $0xFFFF9C00  }
0x23: {  	v7 =	vmov s24;
	v10 =	vld [tilespmem:s25+$0x0]  }
0x24: {  	v12 =	vshll.u32 v7, $0x3  }
0x25: {  	v13 =	vor.u32 v1, v12;
	v14 =	vor.u32 v2, v12  }
0x26: {  	v12 =	vor.u32 v3, v13;
	v13 =	vor.u32 v3, v14;
	v8 =	vld.idx.msk [tilespmem:v8+s14+$0x0], $0xffff  }
0x27: {  	v11 =	vimm.s32 $0x0;
	v9 =	vld.idx.msk [tilespmem:v9+s14+$0x0], $0xffff  }
0x28: {  	v7 =	vimm.f32 $0.0e+00;
	s23 =	sshll.u32 s21, $0x1;
	s25 =	simm.s32 $0x20;
	vm0 =	vne.s32 v10, $0x0;
	v10 =	vimm.f32 $0.0e+00  }
.LBB2_3:
0x29: {  	v14 =	vmov s25;
	p0 =	sne.s32 s25, $0xC70;
	s25 =	sadd.s32 $0x10, s25;
	v15 =	vld [tilespmem:s24+$0x0];
	v16 =	vsel vm0, $0x1, v4  }
.Ltmp0:
0x2a: {  	v14 =	vshll.u32 v14, $0x3;
	v11 =	vadd.s32 v16, v11;
	(pc) =	sbr.rel @p0 .LBB2_3-.Ltmp0, $3  }
0x2b: {  	v7 =	vadd.f32 v8, v7;
	v16 =	vor.u32 v1, v14;
	v14 =	vor.u32 v2, v14;
	v8 =	vld.idx.msk [tilespmem:v13+s14+$0x0], $0xffff  }
0x2c: {  	v10 =	vadd.f32 v9, v10;
	v13 =	vor.u32 v3, v14;
	v9 =	vld.idx.msk [tilespmem:v12+s14+$0x0], $0xffff;
	v12 =	vor.u32 v3, v16;
	_ =	sdelay $0x1  }
0x2d: {  	s24 =	sadd.s32 $0x10, s24;
	vm0 =	vne.s32 v15, $0x0  }
0x2e: {  	v14 =	vld [tilespmem:s24+$0x0];
	_ =	sdelay $0x4  }
0x2f: {  	v15 =	vsel vm0, $0x1, v4;
	vm0 =	vne.s32 v14, $0x0  }
0x30: {  	v11 =	vadd.s32 v15, v11;
	v14 =	vsel vm0, $0x1, v4  }
0x31: {  	v13 =	vld.idx.msk [tilespmem:v13+s14+$0x0], $0xffff;
	v11 =	vadd.s32 v14, v11  }
0x32: {  	v12 =	vld.idx.msk [tilespmem:v12+s14+$0x0], $0xffff;
	[tilespmem:$0xE510] =	vst v11  }
0x33: {  	v11 =	vld.idx.msk [tilespmem:v0+s17+$0x0], $0xffff  }
0x34: {  	v14 =	vld.idx.msk [tilespmem:v5+s17+$0x0], $0xffff;
	_ =	sdelay $0x3  }
0x35: {  	vm0 =	vgt.s32 v11, $0x1  }
0x36: {  	v11 =	vnsel vm0, $0x1, v11;
	vm0 =	vgt.s32 v14, $0x1  }
0x37: {  	v11 =	vcvt.s32.f32 v11;
	v14 =	vnsel vm0, $0x1, v14  }
0x38: {  	v14 =	vcvt.s32.f32 v14  }
0x39: {  	(erf) = vrcp.f32 v11  }
0x3a: {  	(erf) = vrcp.f32 v14;
	_ =	sdelay $0x3  }
0x3b: {  	v9 =	vadd.f32 v9, v10;
	_ =	sdelay $0x1  }
0x3c: {  	v7 =	vadd.f32 v8, v7  }
0x3d: {  	v8 =	vadd.f32 v12, v9  }
0x3e: {  	v7 =	vadd.f32 v13, v7;
	v9 =	vpop (erf)  }
0x3f: {  	v8 =	vmul.f32 v9, v8;
	v9 =	vpop (erf)  }
0x40: {  	p0 =	seq.s32 s21, $0xF;
	v7 =	vmul.f32 v9, v7  }
0x41: {  	s29 =	sshll.u32 s21, $0x6;
	s23 =	sadd.s32 @!p0 s23, s8;
	v8 =	vadd.f32 v8, v6  }
0x42: {  	s24 =	sand.u32 $0x3FFFFFC0, s29;
	s23 =	smul.u32 @!p0 $0x190, s23;
	v7 =	vadd.f32 v7, v6  }
0x43: {  	[tilespmem:s24+$0xE100] =	vst v8  }
0x44: {  	s23 =	sadd.s32 @!p0 s3, s23;
	[tilespmem:s24+$0xE110] =	vst v7;
	s24 =	simm.s32 @!p0 $0x0  }
0x45: {  	[tilespmem:s24], [sflag:$0x3] =	stream.linear.gather @!p0 [hbm4b:s23+s24], $0xC80, $0x38;
	[tilespmem:$0xE520] =	vst v63  }
0x46: {  	s23 =	simm.s32 @!p0 $0x3  }
0x47: {  	_ =	swait.ge @!p0 [sflag:s23], $0xC80  }
0x48: {  	[sflag:s23] =	ssyncset.done @!p0 $0x0  }
0x49: {  	s25 =	simm.s32 @!p0 $0x1900;
	v7 =	vmov s26;
	[sflag:s23] =	ssyncadd.s32 @!p0 $0xFFFFF380;
	s23 =	simm.s32 @!p0 $0xC80  }
0x4a: {  	v7 =	vshll.u32 v7, $0x3;
	[tilespmem:s25], [sflag:$0x1] =	stream.indirect.gather @!p0 [hbm4b:s4+s23], $0x8, s24, s23, $0xb8;
	[tilespmem:$0xE520] =	vst v63  }
0x4b: {  	v8 =	vor.u32 v2, v7;
	_ =	swait.ge [sflag:s18], $0x6400  }
0x4c: {  	v7 =	vor.u32 v1, v7;
	v8 =	vor.u32 v3, v8;
	[sflag:s18] =	ssyncset.done $0x0  }
0x4d: {  	s30 =	simm.s32 $0xC80;
	s31 =	simm.s32 $0x10;
	v9 =	vor.u32 v3, v7;
	[sflag:s18] =	ssyncadd.s32 $0xFFFF9C00  }
0x4e: {  	v7 =	vmov s31;
	v10 =	vld [tilespmem:s30+$0x0]  }
0x4f: {  	v12 =	vshll.u32 v7, $0x3  }
0x50: {  	v13 =	vor.u32 v1, v12;
	v14 =	vor.u32 v2, v12  }
0x51: {  	v12 =	vor.u32 v3, v13;
	v13 =	vor.u32 v3, v14;
	v8 =	vld.idx.msk [tilespmem:v8+s15+$0x0], $0xffff  }
0x52: {  	v11 =	vimm.s32 $0x0;
	v9 =	vld.idx.msk [tilespmem:v9+s15+$0x0], $0xffff  }
0x53: {  	v7 =	vimm.f32 $0.0e+00;
	s23 =	simm.s32 $0x20;
	s24 =	simm.s32 $0xC90;
	vm0 =	vne.s32 v10, $0x0;
	v10 =	vimm.f32 $0.0e+00  }
.LBB2_5:
0x54: {  	v14 =	vmov s23;
	p0 =	sne.s32 s23, $0xC70;
	s23 =	sadd.s32 $0x10, s23;
	v15 =	vld [tilespmem:s24+$0x0];
	v16 =	vsel vm0, $0x1, v4  }
.Ltmp1:
0x55: {  	v14 =	vshll.u32 v14, $0x3;
	v11 =	vadd.s32 v16, v11;
	(pc) =	sbr.rel @p0 .LBB2_5-.Ltmp1, $3  }
0x56: {  	v7 =	vadd.f32 v8, v7;
	v16 =	vor.u32 v1, v14;
	v14 =	vor.u32 v2, v14;
	v8 =	vld.idx.msk [tilespmem:v13+s15+$0x0], $0xffff  }
0x57: {  	v10 =	vadd.f32 v9, v10;
	v13 =	vor.u32 v3, v14;
	v9 =	vld.idx.msk [tilespmem:v12+s15+$0x0], $0xffff;
	v12 =	vor.u32 v3, v16;
	_ =	sdelay $0x1  }
0x58: {  	s24 =	sadd.s32 $0x10, s24;
	vm0 =	vne.s32 v15, $0x0  }
0x59: {  	v14 =	vld [tilespmem:s24+$0x0];
	_ =	sdelay $0x4  }
0x5a: {  	v15 =	vsel vm0, $0x1, v4;
	vm13 =	vne.s32 v14, $0x0  }
0x5b: {  	v11 =	vadd.s32 v15, v11;
	v14 =	vsel vm13, $0x1, v4  }
0x5c: {  	v13 =	vld.idx.msk [tilespmem:v13+s15+$0x0], $0xffff;
	v11 =	vadd.s32 v14, v11  }
0x5d: {  	v12 =	vld.idx.msk [tilespmem:v12+s15+$0x0], $0xffff;
	[tilespmem:$0xE510] =	vst v11  }
0x5e: {  	v11 =	vld.idx.msk [tilespmem:v0+s17+$0x0], $0xffff  }
0x5f: {  	v61 =	vld.idx.msk [tilespmem:v5+s17+$0x0], $0xffff;
	_ =	sdelay $0x3  }
0x60: {  	vm14 =	vgt.s32 v11, $0x1  }
0x61: {  	vm15 =	vgt.s32 v61, $0x1;
	v11 =	vnsel vm14, $0x1, v11  }
0x62: {  	v14 =	vnsel vm15, $0x1, v61;
	v11 =	vcvt.s32.f32 v11  }
0x63: {  	v14 =	vcvt.s32.f32 v14  }
0x64: {  	(erf) = vrcp.f32 v11  }
0x65: {  	(erf) = vrcp.f32 v14;
	_ =	sdelay $0x4  }
0x66: {  	v9 =	vadd.f32 v9, v10  }
0x67: {  	v7 =	vadd.f32 v8, v7  }
0x68: {  	v8 =	vadd.f32 v12, v9  }
0x69: {  	s21 =	sadd.s32 $0x1, s21;
	v7 =	vadd.f32 v13, v7;
	v62 =	vpop (erf)  }
0x6a: {  	p0 =	sne.s32 s21, $0x10;
	v8 =	vmul.f32 v62, v8;
	v63 =	vpop (erf)  }
.Ltmp2:
0x6b: {  	v7 =	vmul.f32 v63, v7;
	(pc) =	sbr.rel @p0 .LBB2_2-.Ltmp2, $4  }
0x6c: {  	s22 =	sshll.u32 s22, $0x5;
	v8 =	vadd.f32 v8, v6  }
0x6d: {  	s22 =	sand.u32 $0x3FFFFFE0, s22;
	v7 =	vadd.f32 v7, v6  }
0x6e: {  	[tilespmem:s22+$0xE100] =	vst v8  }
0x6f: {  	[tilespmem:s22+$0xE110] =	vst v7  }
0x70: {  	s20 =	sadd.s32 $0x1, s20  }
0x71: {  	p0 =	sne.s32 s20, s10  }
.Ltmp3:
0x72: {  	_ = 	snop;
	(pc) =	sbr.rel @p0 .LBB2_1-.Ltmp3, $4  }
0x73: {  	[hbm4b:s9+s2] =	stream.linear.scatter [tilespmem:s19], [sflag:$0x3], $0x400, $0x38;
	[tilespmem:$0xE520] =	vst v63  }
0x74: {  	_ =	swait.ge [sflag:s12], $0x400  }
0x75: {  	[sflag:s12] =	ssyncset.done $0x0  }
0x76: {  	[sflag:s12] =	ssyncadd.s32 $0xFFFFFC00  }
0x77: {  	_ =	sfence.sel $0x180000  }
0x78: {  	[bflag:$0x0] =	sbarrier.arrive $0xFFFF  }
0x79: {  	p0 =	sne.s32 s1, $0x0;
	_ =	strace $0x90000047  }
0x7a: {  	s0 =	sadd.s32 @!p0 $0x100000, s0;
	[bflag:$0x2] =	sbarrier.arrive $0xFFFF  }
0x7b: {  	[sflag:s0] =	ssyncadd.tile.s32 @!p0 $0x1;
	_ =	shalt  }
.Lfunc_end2:
_tile_overlayer_lowered:
.L_overlay_start_2:
0x7c: {  	(tag) =	ssettag $0x2  }
0x7d: {  	s0 =	rddreg [dreg:$0x0];
	s2 =	stileid.u32  }
0x7e: {  	s1 =	rddreg [dreg:$0x1];
	p0 =	sne.s32 s2, $0x0  }
0x7f: {  	s3 =	rddreg [dreg:$0x2];
	[bflag:$0x3] =	sbarrier.arrive $0xFFFF;
	s2 =	simm.s32 @!p0 $0x1C03  }
0x80: {  	[timem:s3], [sflag:s2] =	dma.local @!p0 [hbm:s0], s1  }
0x81: {  	s0 =	simm.s32 @!p0 $0x3  }
0x82: {  	_ =	swait.ge @!p0 [sflag:s0], s1  }
0x83: {  	s1 =	ssub.s32 @!p0 $0x0, s1;
	[sflag:s0] =	ssyncset.done @!p0 $0x0  }
0x84: {  	[sflag:s0] =	ssyncadd.s32 @!p0 s1  }
0x85: {  	[bflag:$0x3] =	sbarrier.arrive $0xFFFF  }
0x86: {  	_ =	shalt  }

</sc_bundles>
